<compile_context>
chip_gen: v7x
topology: tpu7x:2x2x1
jax: 0.10.2.dev20260603
libtpu: 0.0.44.dev20260713+nightly
codegen_flags: <defaults>
</compile_context>

<pallas_src>
import functools

import jax
import jax.numpy as jnp
from jax import lax
from jax.experimental import pallas as pl
from jax.experimental.pallas import tpu as pltpu
from jax.experimental.pallas import tpu_sc as plsc

_L = 16
_ROWS = 8192
_C = 2048
_GCOLS = 128
_NVEC = _GCOLS // _L
_HROWS = _ROWS // 2
_CH = 512
_NCHUNK = _HROWS // _CH


def _sc_body(x_hbm, o_hbm, buf, sums, psums, shared):
    c = lax.axis_index("c")
    s = lax.axis_index("s")
    cb = (c * 8 + lax.rem(s, 8)) * _GCOLS
    rb = (s // 8) * _HROWS

    def chunk1(g, acc):
        pltpu.sync_copy(
            x_hbm.at[pl.ds(rb + g * _CH, _CH), pl.ds(cb, _GCOLS)], buf
        )

        def row(r, acc):
            return tuple(
                acc[k] + buf[r, pl.ds(k * _L, _L)] for k in range(_NVEC)
            )

        return lax.fori_loop(0, _CH, row, acc)

    zero = jnp.zeros((_L,), jnp.float32)
    acc = lax.fori_loop(0, _NCHUNK, chunk1, (zero,) * _NVEC)

    for k in range(_NVEC):
        sums[pl.ds(k * _L, _L)] = acc[k]
    pltpu.sync_copy(sums, shared.at[s])
    plsc.subcore_barrier()
    pltpu.sync_copy(shared.at[s ^ 8], psums)

    inv_n = 1.0 / _ROWS
    parity = lax.rem(lax.iota(jnp.int32, _L), 2) == 0
    means = [
        (acc[k] + psums[pl.ds(k * _L, _L)]) * inv_n for k in range(_NVEC)
    ]

    def chunk2(g, carry):
        pltpu.sync_copy(
            x_hbm.at[pl.ds(rb + g * _CH, _CH), pl.ds(cb, _GCOLS)], buf
        )

        def row(r, carry):
            for k in range(_NVEC):
                v = buf[r, pl.ds(k * _L, _L)]
                buf[r, pl.ds(k * _L, _L)] = jnp.where(parity, means[k], v)
            return carry

        lax.fori_loop(0, _CH, row, 0)
        pltpu.sync_copy(
            buf, o_hbm.at[pl.ds(rb + g * _CH, _CH), pl.ds(cb, _GCOLS)]
        )
        return carry

    lax.fori_loop(0, _NCHUNK, chunk2, 0)


def kernel(inputs):
    orig_shape = inputs.shape
    x = inputs.reshape(_ROWS, _C)
    mesh = plsc.VectorSubcoreMesh(core_axis_name="c", subcore_axis_name="s")
    sc_call = functools.partial(
        pl.kernel,
        mesh=mesh,
        out_type=jax.ShapeDtypeStruct((_ROWS, _C), jnp.float32),
        scratch_types=[
            pltpu.VMEM((_CH, _GCOLS), jnp.float32),
            pltpu.VMEM((_GCOLS,), jnp.float32),
            pltpu.VMEM((_GCOLS,), jnp.float32),
            pltpu.VMEM_SHARED((16, _GCOLS), jnp.float32),
        ],
    )(_sc_body)
    out = sc_call(x)
    return out.reshape(orig_shape)

# --- scband reference (transcript-rebuilt; emitter-appended) ---
"""Pipeline reference for scband-mean-replacer-40269613367706 (READ-ONLY COPY).

The authoritative reference and input builder live on the scoring server;
editing this copy changes nothing except your own understanding.
"""

import jax, jax.numpy as jnp
import numpy as np

# Active units are set via set_active_units() in the original layer; here we fix
# them as half of the channels (every other unit), a constant of the layer.
ACTIVE_UNITS = np.arange(0, 2048, 2)


def setup_inputs(seed: int = 0) -> dict:
    key = jax.random.key(seed)
    inputs = jax.random.normal(key, (2, 4096, 2048), dtype=jnp.float32)
    return {"inputs": inputs}


def reference(inputs):
    # is_replacing=True path: compute per-unit mean over all dims except last,
    # then overwrite each active unit's channel with its broadcast mean.
    n_dims = inputs.ndim
    c_mean = jnp.mean(inputs, axis=tuple(range(n_dims - 1)))
    active = jnp.asarray(ACTIVE_UNITS)
    repl = jnp.broadcast_to(c_mean[active], inputs.shape[:-1] + (active.shape[0],))
    out = inputs.at[..., active].set(repl)
    return out

if __name__ == "__main__":
    import jax
    _d = setup_inputs()
    print(jax.jit(kernel)(*tuple(_d.values())))

</pallas_src>

<mosaic_0001>
#map = affine_map<(d0, d1) -> (0, 0)>
module attributes {stable_mosaic.version = 14 : i64} {
  func.func @_sc_body(%arg0: i32, %arg1: i32, %arg2: memref<8192x2048xf32, #tpu.memory_space<hbm>>, %arg3: memref<8192x2048xf32, #tpu.memory_space<hbm>>, %arg4: memref<512x128xf32, #tpu.memory_space<vmem>>, %arg5: memref<128xf32, #tpu.memory_space<vmem>>, %arg6: memref<128xf32, #tpu.memory_space<vmem>>, %arg7: memref<16x128xf32, #tpu.memory_space<vmem_shared>>) attributes {dimension_semantics = [#tpu.dimension_semantics<core_parallel>, #tpu.dimension_semantics<subcore_parallel>], iteration_bounds = array<i64: 2, 16>, scalar_prefetch = 0 : i64, scratch_operands = 4 : i64, tpu.core_type = #tpu.core_type<sc_vector_subcore>, window_params = [{transform_indices = #map}, {transform_indices = #map}]} {
    %mul3A = arith.constant 8 : i32
    %mul3A_0 = arith.muli %arg0, %mul3A : i32
    %rem3A = arith.constant 8 : i32
    %rem3A_1 = arith.remsi %arg1, %rem3A : i32
    %add3A = arith.addi %mul3A_0, %rem3A_1 : i32
    %mul3A_2 = arith.constant 128 : i32
    %mul3A_3 = arith.muli %add3A, %mul3A_2 : i32
    %jit3A = arith.constant 8 : i32
    %div3A = arith.divsi %arg1, %jit3A : i32
    %sign3A = arith.constant 0 : i32
    %sign3A_4 = arith.cmpi sgt, %arg1, %sign3A : i32
    %sign3A_5 = arith.extui %sign3A_4 : i1 to i32
    %sign3A_6 = arith.constant 0 : i32
    %sign3A_7 = arith.cmpi slt, %arg1, %sign3A_6 : i32
    %sign3A_8 = arith.extui %sign3A_7 : i1 to i32
    %sign3A_9 = arith.subi %sign3A_5, %sign3A_8 : i32
    %sign3A_10 = arith.constant 0 : i32
    %sign3A_11 = arith.cmpi sgt, %jit3A, %sign3A_10 : i32
    %sign3A_12 = arith.extui %sign3A_11 : i1 to i32
    %sign3A_13 = arith.constant 0 : i32
    %sign3A_14 = arith.cmpi slt, %jit3A, %sign3A_13 : i32
    %sign3A_15 = arith.extui %sign3A_14 : i1 to i32
    %sign3A_16 = arith.subi %sign3A_12, %sign3A_15 : i32
    %ne3A = arith.cmpi ne, %sign3A_9, %sign3A_16 : i32
    %rem3A_17 = arith.remsi %arg1, %jit3A : i32
    %ne3A_18 = arith.constant 0 : i32
    %ne3A_19 = arith.cmpi ne, %rem3A_17, %ne3A_18 : i32
    %and3A = arith.andi %ne3A, %ne3A_19 : i1
    %sub3A = arith.constant 1 : i32
    %sub3A_20 = arith.subi %div3A, %sub3A : i32
    %select_n3A = arith.select %and3A, %sub3A_20, %div3A : i32
    %mul3A_21 = arith.constant 4096 : i32
    %mul3A_22 = arith.muli %select_n3A, %mul3A_21 : i32
    %broadcast_in_dim3A = arith.constant 0.000000e+00 : f32
    %broadcast_in_dim3A_23 = vector.broadcast %broadcast_in_dim3A : f32 to vector<16xf32>
    %scan3A = arith.constant 0 : i32
    %scan3A_24 = arith.constant 8 : i32
    %scan3A_25 = arith.addi %scan3A, %scan3A_24 : i32
    %scan3A_26 = arith.constant 1 : i32
    %scan3A_27:8 = scf.for %scan3A_127 = %scan3A to %scan3A_25 step %scan3A_26 iter_args(%scan3A_128 = %broadcast_in_dim3A_23, %scan3A_129 = %broadcast_in_dim3A_23, %scan3A_130 = %broadcast_in_dim3A_23, %scan3A_131 = %broadcast_in_dim3A_23, %scan3A_132 = %broadcast_in_dim3A_23, %scan3A_133 = %broadcast_in_dim3A_23, %scan3A_134 = %broadcast_in_dim3A_23, %scan3A_135 = %broadcast_in_dim3A_23) -> (vector<16xf32>, vector<16xf32>, vector<16xf32>, vector<16xf32>, vector<16xf32>, vector<16xf32>, vector<16xf32>, vector<16xf32>)  : i32 {
      %mul3A_136 = arith.constant 512 : i32
      %mul3A_137 = arith.muli %scan3A_127, %mul3A_136 : i32
      %add3A_138 = arith.addi %mul3A_22, %mul3A_137 : i32
      "tpu.region"() ({
        %run_scoped3A = tpu.sem_alloc : memref<!tpu.dma_semaphore, #tpu.memory_space<semaphore_mem>>
        %dma_start3A = tpu.memref_slice %arg2[%add3A_138, %mul3A_3] : memref<8192x2048xf32, #tpu.memory_space<hbm>> -> memref<512x128xf32, #tpu.memory_space<hbm>>
        %dma_start3A_145 = tpu.memref_slice %arg2[%add3A_138, %mul3A_3] : memref<8192x2048xf32, #tpu.memory_space<hbm>> -> memref<512x128xf32, #tpu.memory_space<hbm>>
        tpu.enqueue_dma source(%dma_start3A_145 : memref<512x128xf32, #tpu.memory_space<hbm>>) target(%arg4 : memref<512x128xf32, #tpu.memory_space<vmem>>) target_semaphore(%run_scoped3A : memref<!tpu.dma_semaphore, #tpu.memory_space<semaphore_mem>>)
        %dma_wait3A = tpu.memref_slice %arg2[%add3A_138, %mul3A_3] : memref<8192x2048xf32, #tpu.memory_space<hbm>> -> memref<512x128xf32, #tpu.memory_space<hbm>>
        %dma_wait3A_146 = tpu.memref_slice %arg2[%add3A_138, %mul3A_3] : memref<8192x2048xf32, #tpu.memory_space<hbm>> -> memref<512x128xf32, #tpu.memory_space<hbm>>
        tpu.wait_dma2 semaphore(%run_scoped3A : memref<!tpu.dma_semaphore, #tpu.memory_space<semaphore_mem>>) src(%dma_wait3A_146 : memref<512x128xf32, #tpu.memory_space<hbm>>) dst(%arg4 : memref<512x128xf32, #tpu.memory_space<vmem>>)
        tpu.yield
      }) : () -> ()
      %scan3A_139 = arith.constant 0 : i32
      %scan3A_140 = arith.constant 512 : i32
      %scan3A_141 = arith.addi %scan3A_139, %scan3A_140 : i32
      %scan3A_142 = arith.constant 1 : i32
      %scan3A_143:8 = scf.for %scan3A_145 = %scan3A_139 to %scan3A_141 step %scan3A_142 iter_args(%scan3A_146 = %scan3A_128, %scan3A_147 = %scan3A_129, %scan3A_148 = %scan3A_130, %scan3A_149 = %scan3A_131, %scan3A_150 = %scan3A_132, %scan3A_151 = %scan3A_133, %scan3A_152 = %scan3A_134, %scan3A_153 = %scan3A_135) -> (vector<16xf32>, vector<16xf32>, vector<16xf32>, vector<16xf32>, vector<16xf32>, vector<16xf32>, vector<16xf32>, vector<16xf32>)  : i32 {
        %get3A_154 = arith.index_cast %scan3A_145 : i32 to index
        %get3A_155 = arith.constant 0 : index
        %get3A_156 = tpu.vector_load %arg4[%get3A_154, %get3A_155] {strides = array<i32>} : memref<512x128xf32, #tpu.memory_space<vmem>>, vector<1x16xf32>,
        %get3A_157 = vector.shape_cast %get3A_156 : vector<1x16xf32> to vector<16xf32>
        %add3A_158 = arith.addf %scan3A_146, %get3A_157 : vector<16xf32>
        %get3A_159 = arith.index_cast %scan3A_145 : i32 to index
        %get3A_160 = arith.constant 16 : index
        %get3A_161 = tpu.vector_load %arg4[%get3A_159, %get3A_160] {strides = array<i32>} : memref<512x128xf32, #tpu.memory_space<vmem>>, vector<1x16xf32>,
        %get3A_162 = vector.shape_cast %get3A_161 : vector<1x16xf32> to vector<16xf32>
        %add3A_163 = arith.addf %scan3A_147, %get3A_162 : vector<16xf32>
        %get3A_164 = arith.index_cast %scan3A_145 : i32 to index
        %get3A_165 = arith.constant 32 : index
        %get3A_166 = tpu.vector_load %arg4[%get3A_164, %get3A_165] {strides = array<i32>} : memref<512x128xf32, #tpu.memory_space<vmem>>, vector<1x16xf32>,
        %get3A_167 = vector.shape_cast %get3A_166 : vector<1x16xf32> to vector<16xf32>
        %add3A_168 = arith.addf %scan3A_148, %get3A_167 : vector<16xf32>
        %get3A_169 = arith.index_cast %scan3A_145 : i32 to index
        %get3A_170 = arith.constant 48 : index
        %get3A_171 = tpu.vector_load %arg4[%get3A_169, %get3A_170] {strides = array<i32>} : memref<512x128xf32, #tpu.memory_space<vmem>>, vector<1x16xf32>,
        %get3A_172 = vector.shape_cast %get3A_171 : vector<1x16xf32> to vector<16xf32>
        %add3A_173 = arith.addf %scan3A_149, %get3A_172 : vector<16xf32>
        %get3A_174 = arith.index_cast %scan3A_145 : i32 to index
        %get3A_175 = arith.constant 64 : index
        %get3A_176 = tpu.vector_load %arg4[%get3A_174, %get3A_175] {strides = array<i32>} : memref<512x128xf32, #tpu.memory_space<vmem>>, vector<1x16xf32>,
        %get3A_177 = vector.shape_cast %get3A_176 : vector<1x16xf32> to vector<16xf32>
        %add3A_178 = arith.addf %scan3A_150, %get3A_177 : vector<16xf32>
        %get3A_179 = arith.index_cast %scan3A_145 : i32 to index
        %get3A_180 = arith.constant 80 : index
        %get3A_181 = tpu.vector_load %arg4[%get3A_179, %get3A_180] {strides = array<i32>} : memref<512x128xf32, #tpu.memory_space<vmem>>, vector<1x16xf32>,
        %get3A_182 = vector.shape_cast %get3A_181 : vector<1x16xf32> to vector<16xf32>
        %add3A_183 = arith.addf %scan3A_151, %get3A_182 : vector<16xf32>
        %get3A_184 = arith.index_cast %scan3A_145 : i32 to index
        %get3A_185 = arith.constant 96 : index
        %get3A_186 = tpu.vector_load %arg4[%get3A_184, %get3A_185] {strides = array<i32>} : memref<512x128xf32, #tpu.memory_space<vmem>>, vector<1x16xf32>,
        %get3A_187 = vector.shape_cast %get3A_186 : vector<1x16xf32> to vector<16xf32>
        %add3A_188 = arith.addf %scan3A_152, %get3A_187 : vector<16xf32>
        %get3A_189 = arith.index_cast %scan3A_145 : i32 to index
        %get3A_190 = arith.constant 112 : index
        %get3A_191 = tpu.vector_load %arg4[%get3A_189, %get3A_190] {strides = array<i32>} : memref<512x128xf32, #tpu.memory_space<vmem>>, vector<1x16xf32>,
        %get3A_192 = vector.shape_cast %get3A_191 : vector<1x16xf32> to vector<16xf32>
        %add3A_193 = arith.addf %scan3A_153, %get3A_192 : vector<16xf32>
        scf.yield %add3A_158, %add3A_163, %add3A_168, %add3A_173, %add3A_178, %add3A_183, %add3A_188, %add3A_193 : vector<16xf32>, vector<16xf32>, vector<16xf32>, vector<16xf32>, vector<16xf32>, vector<16xf32>, vector<16xf32>, vector<16xf32>
      }
      %scan3A_144 = arith.constant 512 : i32
      scf.yield %scan3A_143#0, %scan3A_143#1, %scan3A_143#2, %scan3A_143#3, %scan3A_143#4, %scan3A_143#5, %scan3A_143#6, %scan3A_143#7 : vector<16xf32>, vector<16xf32>, vector<16xf32>, vector<16xf32>, vector<16xf32>, vector<16xf32>, vector<16xf32>, vector<16xf32>
    }
    %scan3A_28 = arith.constant 8 : i32
    %swap3A = arith.constant 0 : index
    %swap3A_29 = tpu.vector_load %arg5[%swap3A] {strides = array<i32>} : memref<128xf32, #tpu.memory_space<vmem>>, vector<16xf32>,
    %swap3A_30 = vector.shape_cast %swap3A_29 : vector<16xf32> to vector<16xf32>
    %swap3A_31 = vector.shape_cast %scan3A_27#0 : vector<16xf32> to vector<16xf32>
    tpu.vector_store %arg5[%swap3A], %swap3A_31 {strides = array<i32>} : memref<128xf32, #tpu.memory_space<vmem>>, vector<16xf32>,
    %swap3A_32 = arith.constant 16 : index
    %swap3A_33 = tpu.vector_load %arg5[%swap3A_32] {strides = array<i32>} : memref<128xf32, #tpu.memory_space<vmem>>, vector<16xf32>,
    %swap3A_34 = vector.shape_cast %swap3A_33 : vector<16xf32> to vector<16xf32>
    %swap3A_35 = vector.shape_cast %scan3A_27#1 : vector<16xf32> to vector<16xf32>
    tpu.vector_store %arg5[%swap3A_32], %swap3A_35 {strides = array<i32>} : memref<128xf32, #tpu.memory_space<vmem>>, vector<16xf32>,
    %swap3A_36 = arith.constant 32 : index
    %swap3A_37 = tpu.vector_load %arg5[%swap3A_36] {strides = array<i32>} : memref<128xf32, #tpu.memory_space<vmem>>, vector<16xf32>,
    %swap3A_38 = vector.shape_cast %swap3A_37 : vector<16xf32> to vector<16xf32>
    %swap3A_39 = vector.shape_cast %scan3A_27#2 : vector<16xf32> to vector<16xf32>
    tpu.vector_store %arg5[%swap3A_36], %swap3A_39 {strides = array<i32>} : memref<128xf32, #tpu.memory_space<vmem>>, vector<16xf32>,
    %swap3A_40 = arith.constant 48 : index
    %swap3A_41 = tpu.vector_load %arg5[%swap3A_40] {strides = array<i32>} : memref<128xf32, #tpu.memory_space<vmem>>, vector<16xf32>,
    %swap3A_42 = vector.shape_cast %swap3A_41 : vector<16xf32> to vector<16xf32>
    %swap3A_43 = vector.shape_cast %scan3A_27#3 : vector<16xf32> to vector<16xf32>
    tpu.vector_store %arg5[%swap3A_40], %swap3A_43 {strides = array<i32>} : memref<128xf32, #tpu.memory_space<vmem>>, vector<16xf32>,
    %swap3A_44 = arith.constant 64 : index
    %swap3A_45 = tpu.vector_load %arg5[%swap3A_44] {strides = array<i32>} : memref<128xf32, #tpu.memory_space<vmem>>, vector<16xf32>,
    %swap3A_46 = vector.shape_cast %swap3A_45 : vector<16xf32> to vector<16xf32>
    %swap3A_47 = vector.shape_cast %scan3A_27#4 : vector<16xf32> to vector<16xf32>
    tpu.vector_store %arg5[%swap3A_44], %swap3A_47 {strides = array<i32>} : memref<128xf32, #tpu.memory_space<vmem>>, vector<16xf32>,
    %swap3A_48 = arith.constant 80 : index
    %swap3A_49 = tpu.vector_load %arg5[%swap3A_48] {strides = array<i32>} : memref<128xf32, #tpu.memory_space<vmem>>, vector<16xf32>,
    %swap3A_50 = vector.shape_cast %swap3A_49 : vector<16xf32> to vector<16xf32>
    %swap3A_51 = vector.shape_cast %scan3A_27#5 : vector<16xf32> to vector<16xf32>
    tpu.vector_store %arg5[%swap3A_48], %swap3A_51 {strides = array<i32>} : memref<128xf32, #tpu.memory_space<vmem>>, vector<16xf32>,
    %swap3A_52 = arith.constant 96 : index
    %swap3A_53 = tpu.vector_load %arg5[%swap3A_52] {strides = array<i32>} : memref<128xf32, #tpu.memory_space<vmem>>, vector<16xf32>,
    %swap3A_54 = vector.shape_cast %swap3A_53 : vector<16xf32> to vector<16xf32>
    %swap3A_55 = vector.shape_cast %scan3A_27#6 : vector<16xf32> to vector<16xf32>
    tpu.vector_store %arg5[%swap3A_52], %swap3A_55 {strides = array<i32>} : memref<128xf32, #tpu.memory_space<vmem>>, vector<16xf32>,
    %swap3A_56 = arith.constant 112 : index
    %swap3A_57 = tpu.vector_load %arg5[%swap3A_56] {strides = array<i32>} : memref<128xf32, #tpu.memory_space<vmem>>, vector<16xf32>,
    %swap3A_58 = vector.shape_cast %swap3A_57 : vector<16xf32> to vector<16xf32>
    %swap3A_59 = vector.shape_cast %scan3A_27#7 : vector<16xf32> to vector<16xf32>
    tpu.vector_store %arg5[%swap3A_56], %swap3A_59 {strides = array<i32>} : memref<128xf32, #tpu.memory_space<vmem>>, vector<16xf32>,
    "tpu.region"() ({
      %run_scoped3A = tpu.sem_alloc : memref<!tpu.dma_semaphore, #tpu.memory_space<semaphore_mem>>
      %dma_start3A = arith.constant 0 : i32
      %dma_start3A_127 = tpu.memref_slice %arg7[%arg1, %dma_start3A] : memref<16x128xf32, #tpu.memory_space<vmem_shared>> -> memref<1x128xf32, #tpu.memory_space<vmem_shared>>
      %dma_start3A_128 = tpu.memref_squeeze %dma_start3A_127 : memref<1x128xf32, #tpu.memory_space<vmem_shared>> -> memref<128xf32, #tpu.memory_space<vmem_shared>>
      %dma_start3A_129 = arith.constant 0 : i32
      %dma_start3A_130 = tpu.memref_slice %arg7[%arg1, %dma_start3A_129] : memref<16x128xf32, #tpu.memory_space<vmem_shared>> -> memref<1x128xf32, #tpu.memory_space<vmem_shared>>
      %dma_start3A_131 = tpu.memref_squeeze %dma_start3A_130 : memref<1x128xf32, #tpu.memory_space<vmem_shared>> -> memref<128xf32, #tpu.memory_space<vmem_shared>>
      tpu.enqueue_dma source(%arg5 : memref<128xf32, #tpu.memory_space<vmem>>) target(%dma_start3A_131 : memref<128xf32, #tpu.memory_space<vmem_shared>>) target_semaphore(%run_scoped3A : memref<!tpu.dma_semaphore, #tpu.memory_space<semaphore_mem>>)
      %dma_wait3A = arith.constant 0 : i32
      %dma_wait3A_132 = tpu.memref_slice %arg7[%arg1, %dma_wait3A] : memref<16x128xf32, #tpu.memory_space<vmem_shared>> -> memref<1x128xf32, #tpu.memory_space<vmem_shared>>
      %dma_wait3A_133 = tpu.memref_squeeze %dma_wait3A_132 : memref<1x128xf32, #tpu.memory_space<vmem_shared>> -> memref<128xf32, #tpu.memory_space<vmem_shared>>
      %dma_wait3A_134 = arith.constant 0 : i32
      %dma_wait3A_135 = tpu.memref_slice %arg7[%arg1, %dma_wait3A_134] : memref<16x128xf32, #tpu.memory_space<vmem_shared>> -> memref<1x128xf32, #tpu.memory_space<vmem_shared>>
      %dma_wait3A_136 = tpu.memref_squeeze %dma_wait3A_135 : memref<1x128xf32, #tpu.memory_space<vmem_shared>> -> memref<128xf32, #tpu.memory_space<vmem_shared>>
      tpu.wait_dma2 semaphore(%run_scoped3A : memref<!tpu.dma_semaphore, #tpu.memory_space<semaphore_mem>>) src(%arg5 : memref<128xf32, #tpu.memory_space<vmem>>) dst(%dma_wait3A_136 : memref<128xf32, #tpu.memory_space<vmem_shared>>)
      tpu.yield
    }) : () -> ()
    %barrier3A = arith.constant 0 : index
    tpu.barrier barrier_id(%barrier3A)
    %xor3A = arith.constant 8 : i32
    %xor3A_60 = arith.xori %arg1, %xor3A : i32
    "tpu.region"() ({
      %run_scoped3A = tpu.sem_alloc : memref<!tpu.dma_semaphore, #tpu.memory_space<semaphore_mem>>
      %dma_start3A = arith.constant 0 : i32
      %dma_start3A_127 = tpu.memref_slice %arg7[%xor3A_60, %dma_start3A] : memref<16x128xf32, #tpu.memory_space<vmem_shared>> -> memref<1x128xf32, #tpu.memory_space<vmem_shared>>
      %dma_start3A_128 = tpu.memref_squeeze %dma_start3A_127 : memref<1x128xf32, #tpu.memory_space<vmem_shared>> -> memref<128xf32, #tpu.memory_space<vmem_shared>>
      %dma_start3A_129 = arith.constant 0 : i32
      %dma_start3A_130 = tpu.memref_slice %arg7[%xor3A_60, %dma_start3A_129] : memref<16x128xf32, #tpu.memory_space<vmem_shared>> -> memref<1x128xf32, #tpu.memory_space<vmem_shared>>
      %dma_start3A_131 = tpu.memref_squeeze %dma_start3A_130 : memref<1x128xf32, #tpu.memory_space<vmem_shared>> -> memref<128xf32, #tpu.memory_space<vmem_shared>>
      tpu.enqueue_dma source(%dma_start3A_131 : memref<128xf32, #tpu.memory_space<vmem_shared>>) target(%arg6 : memref<128xf32, #tpu.memory_space<vmem>>) target_semaphore(%run_scoped3A : memref<!tpu.dma_semaphore, #tpu.memory_space<semaphore_mem>>)
      %dma_wait3A = arith.constant 0 : i32
      %dma_wait3A_132 = tpu.memref_slice %arg7[%xor3A_60, %dma_wait3A] : memref<16x128xf32, #tpu.memory_space<vmem_shared>> -> memref<1x128xf32, #tpu.memory_space<vmem_shared>>
      %dma_wait3A_133 = tpu.memref_squeeze %dma_wait3A_132 : memref<1x128xf32, #tpu.memory_space<vmem_shared>> -> memref<128xf32, #tpu.memory_space<vmem_shared>>
      %dma_wait3A_134 = arith.constant 0 : i32
      %dma_wait3A_135 = tpu.memref_slice %arg7[%xor3A_60, %dma_wait3A_134] : memref<16x128xf32, #tpu.memory_space<vmem_shared>> -> memref<1x128xf32, #tpu.memory_space<vmem_shared>>
      %dma_wait3A_136 = tpu.memref_squeeze %dma_wait3A_135 : memref<1x128xf32, #tpu.memory_space<vmem_shared>> -> memref<128xf32, #tpu.memory_space<vmem_shared>>
      tpu.wait_dma2 semaphore(%run_scoped3A : memref<!tpu.dma_semaphore, #tpu.memory_space<semaphore_mem>>) src(%dma_wait3A_136 : memref<128xf32, #tpu.memory_space<vmem_shared>>) dst(%arg6 : memref<128xf32, #tpu.memory_space<vmem>>)
      tpu.yield
    }) : () -> ()
    %iota3A = tpu.iota {dimensions = array<i32: 0>} : vector<16xi32>
    %rem3A_61 = arith.constant 2 : i32
    %rem3A_62 = vector.broadcast %rem3A_61 : i32 to vector<16xi32>
    %rem3A_63 = arith.remsi %iota3A, %rem3A_62 : vector<16xi32>
    %eq3A = arith.constant 0 : i32
    %eq3A_64 = vector.broadcast %eq3A : i32 to vector<16xi32>
    %eq3A_65 = arith.cmpi eq, %rem3A_63, %eq3A_64 : vector<16xi32>
    %get3A = arith.constant 0 : index
    %get3A_66 = tpu.vector_load %arg6[%get3A] {strides = array<i32>} : memref<128xf32, #tpu.memory_space<vmem>>, vector<16xf32>,
    %get3A_67 = vector.shape_cast %get3A_66 : vector<16xf32> to vector<16xf32>
    %add3A_68 = arith.addf %scan3A_27#0, %get3A_67 : vector<16xf32>
    %mul3A_69 = arith.constant 1.22070313E-4 : f32
    %mul3A_70 = vector.broadcast %mul3A_69 : f32 to vector<16xf32>
    %mul3A_71 = arith.mulf %add3A_68, %mul3A_70 : vector<16xf32>
    %get3A_72 = arith.constant 16 : index
    %get3A_73 = tpu.vector_load %arg6[%get3A_72] {strides = array<i32>} : memref<128xf32, #tpu.memory_space<vmem>>, vector<16xf32>,
    %get3A_74 = vector.shape_cast %get3A_73 : vector<16xf32> to vector<16xf32>
    %add3A_75 = arith.addf %scan3A_27#1, %get3A_74 : vector<16xf32>
    %mul3A_76 = arith.constant 1.22070313E-4 : f32
    %mul3A_77 = vector.broadcast %mul3A_76 : f32 to vector<16xf32>
    %mul3A_78 = arith.mulf %add3A_75, %mul3A_77 : vector<16xf32>
    %get3A_79 = arith.constant 32 : index
    %get3A_80 = tpu.vector_load %arg6[%get3A_79] {strides = array<i32>} : memref<128xf32, #tpu.memory_space<vmem>>, vector<16xf32>,
    %get3A_81 = vector.shape_cast %get3A_80 : vector<16xf32> to vector<16xf32>
    %add3A_82 = arith.addf %scan3A_27#2, %get3A_81 : vector<16xf32>
    %mul3A_83 = arith.constant 1.22070313E-4 : f32
    %mul3A_84 = vector.broadcast %mul3A_83 : f32 to vector<16xf32>
    %mul3A_85 = arith.mulf %add3A_82, %mul3A_84 : vector<16xf32>
    %get3A_86 = arith.constant 48 : index
    %get3A_87 = tpu.vector_load %arg6[%get3A_86] {strides = array<i32>} : memref<128xf32, #tpu.memory_space<vmem>>, vector<16xf32>,
    %get3A_88 = vector.shape_cast %get3A_87 : vector<16xf32> to vector<16xf32>
    %add3A_89 = arith.addf %scan3A_27#3, %get3A_88 : vector<16xf32>
    %mul3A_90 = arith.constant 1.22070313E-4 : f32
    %mul3A_91 = vector.broadcast %mul3A_90 : f32 to vector<16xf32>
    %mul3A_92 = arith.mulf %add3A_89, %mul3A_91 : vector<16xf32>
    %get3A_93 = arith.constant 64 : index
    %get3A_94 = tpu.vector_load %arg6[%get3A_93] {strides = array<i32>} : memref<128xf32, #tpu.memory_space<vmem>>, vector<16xf32>,
    %get3A_95 = vector.shape_cast %get3A_94 : vector<16xf32> to vector<16xf32>
    %add3A_96 = arith.addf %scan3A_27#4, %get3A_95 : vector<16xf32>
    %mul3A_97 = arith.constant 1.22070313E-4 : f32
    %mul3A_98 = vector.broadcast %mul3A_97 : f32 to vector<16xf32>
    %mul3A_99 = arith.mulf %add3A_96, %mul3A_98 : vector<16xf32>
    %get3A_100 = arith.constant 80 : index
    %get3A_101 = tpu.vector_load %arg6[%get3A_100] {strides = array<i32>} : memref<128xf32, #tpu.memory_space<vmem>>, vector<16xf32>,
    %get3A_102 = vector.shape_cast %get3A_101 : vector<16xf32> to vector<16xf32>
    %add3A_103 = arith.addf %scan3A_27#5, %get3A_102 : vector<16xf32>
    %mul3A_104 = arith.constant 1.22070313E-4 : f32
    %mul3A_105 = vector.broadcast %mul3A_104 : f32 to vector<16xf32>
    %mul3A_106 = arith.mulf %add3A_103, %mul3A_105 : vector<16xf32>
    %get3A_107 = arith.constant 96 : index
    %get3A_108 = tpu.vector_load %arg6[%get3A_107] {strides = array<i32>} : memref<128xf32, #tpu.memory_space<vmem>>, vector<16xf32>,
    %get3A_109 = vector.shape_cast %get3A_108 : vector<16xf32> to vector<16xf32>
    %add3A_110 = arith.addf %scan3A_27#6, %get3A_109 : vector<16xf32>
    %mul3A_111 = arith.constant 1.22070313E-4 : f32
    %mul3A_112 = vector.broadcast %mul3A_111 : f32 to vector<16xf32>
    %mul3A_113 = arith.mulf %add3A_110, %mul3A_112 : vector<16xf32>
    %get3A_114 = arith.constant 112 : index
    %get3A_115 = tpu.vector_load %arg6[%get3A_114] {strides = array<i32>} : memref<128xf32, #tpu.memory_space<vmem>>, vector<16xf32>,
    %get3A_116 = vector.shape_cast %get3A_115 : vector<16xf32> to vector<16xf32>
    %add3A_117 = arith.addf %scan3A_27#7, %get3A_116 : vector<16xf32>
    %mul3A_118 = arith.constant 1.22070313E-4 : f32
    %mul3A_119 = vector.broadcast %mul3A_118 : f32 to vector<16xf32>
    %mul3A_120 = arith.mulf %add3A_117, %mul3A_119 : vector<16xf32>
    %scan3A_121 = arith.constant 0 : i32
    %scan3A_122 = arith.constant 0 : i32
    %scan3A_123 = arith.constant 8 : i32
    %scan3A_124 = arith.addi %scan3A_122, %scan3A_123 : i32
    %scan3A_125 = arith.constant 1 : i32
    scf.for %scan3A_127 = %scan3A_122 to %scan3A_124 step %scan3A_125  : i32 {
      %mul3A_128 = arith.constant 512 : i32
      %mul3A_129 = arith.muli %scan3A_127, %mul3A_128 : i32
      %add3A_130 = arith.addi %mul3A_22, %mul3A_129 : i32
      "tpu.region"() ({
        %run_scoped3A = tpu.sem_alloc : memref<!tpu.dma_semaphore, #tpu.memory_space<semaphore_mem>>
        %dma_start3A = tpu.memref_slice %arg2[%add3A_130, %mul3A_3] : memref<8192x2048xf32, #tpu.memory_space<hbm>> -> memref<512x128xf32, #tpu.memory_space<hbm>>
        %dma_start3A_140 = tpu.memref_slice %arg2[%add3A_130, %mul3A_3] : memref<8192x2048xf32, #tpu.memory_space<hbm>> -> memref<512x128xf32, #tpu.memory_space<hbm>>
        tpu.enqueue_dma source(%dma_start3A_140 : memref<512x128xf32, #tpu.memory_space<hbm>>) target(%arg4 : memref<512x128xf32, #tpu.memory_space<vmem>>) target_semaphore(%run_scoped3A : memref<!tpu.dma_semaphore, #tpu.memory_space<semaphore_mem>>)
        %dma_wait3A = tpu.memref_slice %arg2[%add3A_130, %mul3A_3] : memref<8192x2048xf32, #tpu.memory_space<hbm>> -> memref<512x128xf32, #tpu.memory_space<hbm>>
        %dma_wait3A_141 = tpu.memref_slice %arg2[%add3A_130, %mul3A_3] : memref<8192x2048xf32, #tpu.memory_space<hbm>> -> memref<512x128xf32, #tpu.memory_space<hbm>>
        tpu.wait_dma2 semaphore(%run_scoped3A : memref<!tpu.dma_semaphore, #tpu.memory_space<semaphore_mem>>) src(%dma_wait3A_141 : memref<512x128xf32, #tpu.memory_space<hbm>>) dst(%arg4 : memref<512x128xf32, #tpu.memory_space<vmem>>)
        tpu.yield
      }) : () -> ()
      %scan3A_131 = arith.constant 0 : i32
      %scan3A_132 = arith.constant 0 : i32
      %scan3A_133 = arith.constant 512 : i32
      %scan3A_134 = arith.addi %scan3A_132, %scan3A_133 : i32
      %scan3A_135 = arith.constant 1 : i32
      scf.for %scan3A_140 = %scan3A_132 to %scan3A_134 step %scan3A_135  : i32 {
        %get3A_141 = arith.index_cast %scan3A_140 : i32 to index
        %get3A_142 = arith.constant 0 : index
        %get3A_143 = tpu.vector_load %arg4[%get3A_141, %get3A_142] {strides = array<i32>} : memref<512x128xf32, #tpu.memory_space<vmem>>, vector<1x16xf32>,
        %get3A_144 = vector.shape_cast %get3A_143 : vector<1x16xf32> to vector<16xf32>
        %select_n3A_145 = arith.select %eq3A_65, %mul3A_71, %get3A_144 : vector<16xi1>, vector<16xf32>
        %swap3A_146 = arith.index_cast %scan3A_140 : i32 to index
        %swap3A_147 = arith.constant 0 : index
        %swap3A_148 = tpu.vector_load %arg4[%swap3A_146, %swap3A_147] {strides = array<i32>} : memref<512x128xf32, #tpu.memory_space<vmem>>, vector<1x16xf32>,
        %swap3A_149 = vector.shape_cast %swap3A_148 : vector<1x16xf32> to vector<16xf32>
        %swap3A_150 = vector.shape_cast %select_n3A_145 : vector<16xf32> to vector<1x16xf32>
        tpu.vector_store %arg4[%swap3A_146, %swap3A_147], %swap3A_150 {strides = array<i32>} : memref<512x128xf32, #tpu.memory_space<vmem>>, vector<1x16xf32>,
        %get3A_151 = arith.index_cast %scan3A_140 : i32 to index
        %get3A_152 = arith.constant 16 : index
        %get3A_153 = tpu.vector_load %arg4[%get3A_151, %get3A_152] {strides = array<i32>} : memref<512x128xf32, #tpu.memory_space<vmem>>, vector<1x16xf32>,
        %get3A_154 = vector.shape_cast %get3A_153 : vector<1x16xf32> to vector<16xf32>
        %select_n3A_155 = arith.select %eq3A_65, %mul3A_78, %get3A_154 : vector<16xi1>, vector<16xf32>
        %swap3A_156 = arith.index_cast %scan3A_140 : i32 to index
        %swap3A_157 = arith.constant 16 : index
        %swap3A_158 = tpu.vector_load %arg4[%swap3A_156, %swap3A_157] {strides = array<i32>} : memref<512x128xf32, #tpu.memory_space<vmem>>, vector<1x16xf32>,
        %swap3A_159 = vector.shape_cast %swap3A_158 : vector<1x16xf32> to vector<16xf32>
        %swap3A_160 = vector.shape_cast %select_n3A_155 : vector<16xf32> to vector<1x16xf32>
        tpu.vector_store %arg4[%swap3A_156, %swap3A_157], %swap3A_160 {strides = array<i32>} : memref<512x128xf32, #tpu.memory_space<vmem>>, vector<1x16xf32>,
        %get3A_161 = arith.index_cast %scan3A_140 : i32 to index
        %get3A_162 = arith.constant 32 : index
        %get3A_163 = tpu.vector_load %arg4[%get3A_161, %get3A_162] {strides = array<i32>} : memref<512x128xf32, #tpu.memory_space<vmem>>, vector<1x16xf32>,
        %get3A_164 = vector.shape_cast %get3A_163 : vector<1x16xf32> to vector<16xf32>
        %select_n3A_165 = arith.select %eq3A_65, %mul3A_85, %get3A_164 : vector<16xi1>, vector<16xf32>
        %swap3A_166 = arith.index_cast %scan3A_140 : i32 to index
        %swap3A_167 = arith.constant 32 : index
        %swap3A_168 = tpu.vector_load %arg4[%swap3A_166, %swap3A_167] {strides = array<i32>} : memref<512x128xf32, #tpu.memory_space<vmem>>, vector<1x16xf32>,
        %swap3A_169 = vector.shape_cast %swap3A_168 : vector<1x16xf32> to vector<16xf32>
        %swap3A_170 = vector.shape_cast %select_n3A_165 : vector<16xf32> to vector<1x16xf32>
        tpu.vector_store %arg4[%swap3A_166, %swap3A_167], %swap3A_170 {strides = array<i32>} : memref<512x128xf32, #tpu.memory_space<vmem>>, vector<1x16xf32>,
        %get3A_171 = arith.index_cast %scan3A_140 : i32 to index
        %get3A_172 = arith.constant 48 : index
        %get3A_173 = tpu.vector_load %arg4[%get3A_171, %get3A_172] {strides = array<i32>} : memref<512x128xf32, #tpu.memory_space<vmem>>, vector<1x16xf32>,
        %get3A_174 = vector.shape_cast %get3A_173 : vector<1x16xf32> to vector<16xf32>
        %select_n3A_175 = arith.select %eq3A_65, %mul3A_92, %get3A_174 : vector<16xi1>, vector<16xf32>
        %swap3A_176 = arith.index_cast %scan3A_140 : i32 to index
        %swap3A_177 = arith.constant 48 : index
        %swap3A_178 = tpu.vector_load %arg4[%swap3A_176, %swap3A_177] {strides = array<i32>} : memref<512x128xf32, #tpu.memory_space<vmem>>, vector<1x16xf32>,
        %swap3A_179 = vector.shape_cast %swap3A_178 : vector<1x16xf32> to vector<16xf32>
        %swap3A_180 = vector.shape_cast %select_n3A_175 : vector<16xf32> to vector<1x16xf32>
        tpu.vector_store %arg4[%swap3A_176, %swap3A_177], %swap3A_180 {strides = array<i32>} : memref<512x128xf32, #tpu.memory_space<vmem>>, vector<1x16xf32>,
        %get3A_181 = arith.index_cast %scan3A_140 : i32 to index
        %get3A_182 = arith.constant 64 : index
        %get3A_183 = tpu.vector_load %arg4[%get3A_181, %get3A_182] {strides = array<i32>} : memref<512x128xf32, #tpu.memory_space<vmem>>, vector<1x16xf32>,
        %get3A_184 = vector.shape_cast %get3A_183 : vector<1x16xf32> to vector<16xf32>
        %select_n3A_185 = arith.select %eq3A_65, %mul3A_99, %get3A_184 : vector<16xi1>, vector<16xf32>
        %swap3A_186 = arith.index_cast %scan3A_140 : i32 to index
        %swap3A_187 = arith.constant 64 : index
        %swap3A_188 = tpu.vector_load %arg4[%swap3A_186, %swap3A_187] {strides = array<i32>} : memref<512x128xf32, #tpu.memory_space<vmem>>, vector<1x16xf32>,
        %swap3A_189 = vector.shape_cast %swap3A_188 : vector<1x16xf32> to vector<16xf32>
        %swap3A_190 = vector.shape_cast %select_n3A_185 : vector<16xf32> to vector<1x16xf32>
        tpu.vector_store %arg4[%swap3A_186, %swap3A_187], %swap3A_190 {strides = array<i32>} : memref<512x128xf32, #tpu.memory_space<vmem>>, vector<1x16xf32>,
        %get3A_191 = arith.index_cast %scan3A_140 : i32 to index
        %get3A_192 = arith.constant 80 : index
        %get3A_193 = tpu.vector_load %arg4[%get3A_191, %get3A_192] {strides = array<i32>} : memref<512x128xf32, #tpu.memory_space<vmem>>, vector<1x16xf32>,
        %get3A_194 = vector.shape_cast %get3A_193 : vector<1x16xf32> to vector<16xf32>
        %select_n3A_195 = arith.select %eq3A_65, %mul3A_106, %get3A_194 : vector<16xi1>, vector<16xf32>
        %swap3A_196 = arith.index_cast %scan3A_140 : i32 to index
        %swap3A_197 = arith.constant 80 : index
        %swap3A_198 = tpu.vector_load %arg4[%swap3A_196, %swap3A_197] {strides = array<i32>} : memref<512x128xf32, #tpu.memory_space<vmem>>, vector<1x16xf32>,
        %swap3A_199 = vector.shape_cast %swap3A_198 : vector<1x16xf32> to vector<16xf32>
        %swap3A_200 = vector.shape_cast %select_n3A_195 : vector<16xf32> to vector<1x16xf32>
        tpu.vector_store %arg4[%swap3A_196, %swap3A_197], %swap3A_200 {strides = array<i32>} : memref<512x128xf32, #tpu.memory_space<vmem>>, vector<1x16xf32>,
        %get3A_201 = arith.index_cast %scan3A_140 : i32 to index
        %get3A_202 = arith.constant 96 : index
        %get3A_203 = tpu.vector_load %arg4[%get3A_201, %get3A_202] {strides = array<i32>} : memref<512x128xf32, #tpu.memory_space<vmem>>, vector<1x16xf32>,
        %get3A_204 = vector.shape_cast %get3A_203 : vector<1x16xf32> to vector<16xf32>
        %select_n3A_205 = arith.select %eq3A_65, %mul3A_113, %get3A_204 : vector<16xi1>, vector<16xf32>
        %swap3A_206 = arith.index_cast %scan3A_140 : i32 to index
        %swap3A_207 = arith.constant 96 : index
        %swap3A_208 = tpu.vector_load %arg4[%swap3A_206, %swap3A_207] {strides = array<i32>} : memref<512x128xf32, #tpu.memory_space<vmem>>, vector<1x16xf32>,
        %swap3A_209 = vector.shape_cast %swap3A_208 : vector<1x16xf32> to vector<16xf32>
        %swap3A_210 = vector.shape_cast %select_n3A_205 : vector<16xf32> to vector<1x16xf32>
        tpu.vector_store %arg4[%swap3A_206, %swap3A_207], %swap3A_210 {strides = array<i32>} : memref<512x128xf32, #tpu.memory_space<vmem>>, vector<1x16xf32>,
        %get3A_211 = arith.index_cast %scan3A_140 : i32 to index
        %get3A_212 = arith.constant 112 : index
        %get3A_213 = tpu.vector_load %arg4[%get3A_211, %get3A_212] {strides = array<i32>} : memref<512x128xf32, #tpu.memory_space<vmem>>, vector<1x16xf32>,
        %get3A_214 = vector.shape_cast %get3A_213 : vector<1x16xf32> to vector<16xf32>
        %select_n3A_215 = arith.select %eq3A_65, %mul3A_120, %get3A_214 : vector<16xi1>, vector<16xf32>
        %swap3A_216 = arith.index_cast %scan3A_140 : i32 to index
        %swap3A_217 = arith.constant 112 : index
        %swap3A_218 = tpu.vector_load %arg4[%swap3A_216, %swap3A_217] {strides = array<i32>} : memref<512x128xf32, #tpu.memory_space<vmem>>, vector<1x16xf32>,
        %swap3A_219 = vector.shape_cast %swap3A_218 : vector<1x16xf32> to vector<16xf32>
        %swap3A_220 = vector.shape_cast %select_n3A_215 : vector<16xf32> to vector<1x16xf32>
        tpu.vector_store %arg4[%swap3A_216, %swap3A_217], %swap3A_220 {strides = array<i32>} : memref<512x128xf32, #tpu.memory_space<vmem>>, vector<1x16xf32>,
      }
      %scan3A_136 = arith.constant 512 : i32
      %mul3A_137 = arith.constant 512 : i32
      %mul3A_138 = arith.muli %scan3A_127, %mul3A_137 : i32
      %add3A_139 = arith.addi %mul3A_22, %mul3A_138 : i32
      "tpu.region"() ({
        %run_scoped3A = tpu.sem_alloc : memref<!tpu.dma_semaphore, #tpu.memory_space<semaphore_mem>>
        %dma_start3A = tpu.memref_slice %arg3[%add3A_139, %mul3A_3] : memref<8192x2048xf32, #tpu.memory_space<hbm>> -> memref<512x128xf32, #tpu.memory_space<hbm>>
        %dma_start3A_140 = tpu.memref_slice %arg3[%add3A_139, %mul3A_3] : memref<8192x2048xf32, #tpu.memory_space<hbm>> -> memref<512x128xf32, #tpu.memory_space<hbm>>
        tpu.enqueue_dma source(%arg4 : memref<512x128xf32, #tpu.memory_space<vmem>>) target(%dma_start3A_140 : memref<512x128xf32, #tpu.memory_space<hbm>>) target_semaphore(%run_scoped3A : memref<!tpu.dma_semaphore, #tpu.memory_space<semaphore_mem>>)
        %dma_wait3A = tpu.memref_slice %arg3[%add3A_139, %mul3A_3] : memref<8192x2048xf32, #tpu.memory_space<hbm>> -> memref<512x128xf32, #tpu.memory_space<hbm>>
        %dma_wait3A_141 = tpu.memref_slice %arg3[%add3A_139, %mul3A_3] : memref<8192x2048xf32, #tpu.memory_space<hbm>> -> memref<512x128xf32, #tpu.memory_space<hbm>>
        tpu.wait_dma2 semaphore(%run_scoped3A : memref<!tpu.dma_semaphore, #tpu.memory_space<semaphore_mem>>) src(%arg4 : memref<512x128xf32, #tpu.memory_space<vmem>>) dst(%dma_wait3A_141 : memref<512x128xf32, #tpu.memory_space<hbm>>)
        tpu.yield
      }) : () -> ()
    }
    %scan3A_126 = arith.constant 8 : i32
    return
  }
}

</mosaic_0001>

<sc_bundles>
// kernel: kernel.3.cloned.1.call-start
scs
__scs_entry_jumppad:
0x0: {  	(pc) =	sbr.rel $0x88, $3  }
0x1: {  	(tag) =	ssettag $0x0;
	lr =	simm.s32 $0x1  }
0x2: {  	[smem:$0x3FA0] =	sst lr;
	_ =	strace $0xD0000000  }
0x3: {  	_ = 	snop  }
0x4: {  	_ = 	snop  }
0x5: {  	_ = 	snop  }
0x6: {  	_ = 	snop  }
0x7: {  	_ = 	snop  }
__scs_overlays_trampoline_lowered:
0x8: {  	[smem:$0x3FAF] =	sst s0  }
0x9: {  	[smem:$0x3FB0] =	sst s1  }
0xa: {  	[smem:$0x3FB1] =	sst s2  }
0xb: {  	[smem:$0x3FB2] =	sst s3  }
0xc: {  	[smem:$0x3FB3] =	sst s4  }
0xd: {  	[smem:$0x3FB4] =	sst s5  }
0xe: {  	[smem:$0x3FB5] =	sst s6  }
0xf: {  	[smem:$0x3FB6] =	sst s7  }
0x10: {  	[smem:$0x3FB7] =	sst s8  }
0x11: {  	[smem:$0x3FB8] =	sst s9;
	s0 =	simm.s32 @!p0 $0x0  }
0x12: {  	s1 =	sld [smem:$0x3F9E];
	s0 =	simm.s32 @p0 $0x1  }
0x13: {  	[smem:$0x3FB9] =	sst s0;
	s0 =	simm.s32 @!p1 $0x0  }
0x14: {  	s2 =	sld [smem:$0x3F9D];
	s0 =	simm.s32 @p1 $0x1  }
0x15: {  	[smem:$0x3FBA] =	sst s0;
	s0 =	simm.s32 @!p2 $0x0  }
0x16: {  	s3 =	sld [smem:$0x3FDB];
	s0 =	simm.s32 @p2 $0x1  }
0x17: {  	s4 =	simm.s32 $0x1BF5;
	[smem:$0x3FBC] =	sst s0  }
0x18: {  	s0 =	sld [smem:$0x3F9F];
	_ =	swait.ge [sflag:s4], $0x0  }
0x19: {  	s7 =	sld [smem:$0x3FA0]  }
0x1a: {  	s8 =	sadd.s32 $0xFFFFE003, lr  }
0x1b: {  	s9 =	sadd.s32 $0xFFFFFEF7, lr;
	s5 =	simm.s32 $0xFFFFFFFF;
	p2 =	slt.u32 s8, $0xFFFFF086  }
0x1c: {  	p1 =	slt.u32 s9, $0xF7A;
	s5 =	simm.s32 @!p2 $0x0  }
0x1d: {  	s5 =	simm.s32 @p1 $0x1;
	p0 =	seq.s32 s7, s2  }
0x1e: {  	s7 =	smul.u32 @!p0 $0xF7A, s2;
	p2 =	seq.s32 @!p0 s5, $0x0  }
0x1f: {  	s9 =	smul.u32 $0xF7A, s1;
	s8 =	simm.s32 @!p0 $0x1BF5;
	p2 =	por !p2, p0  }
0x20: {  	[sflag:s8] =	ssyncset.s32 @!p0 $0xFFFFF086;
	s6 =	sadd.s32 @!p0 s3, s7;
	s7 =	simm.s32 @!p0 $0x108  }
0x21: {  	s3 =	sadd.s32 s3, s9;
	s6 =	sadd.s32 @!p0 $0x88, s6;
	s7 =	simm.s32 @p2 $0x1082  }
0x22: {  	[simem:s7], [sflag:s8] =	dma.local @!p0 [hbm:s6], $0xF7A  }
0x23: {  	s9 =	sor.u32 $0xD0000000, s2;
	s6 =	simm.s32 $0x108;
	_ =	swait.ge @!p0 [sflag:s8], $0x0  }
0x24: {  	s3 =	sadd.s32 $0x88, s3;
	s6 =	simm.s32 @!p1 $0x1082;
	[sflag:s4] =	ssyncset.s32 $0xFFFFF086  }
0x25: {  	[simem:s6], [sflag:s4] =	dma.local [hbm:s3], $0xF7A  }
0x26: {  	[smem:$0x3FA0] =	sst s1;
	(tag) =	ssettag s2;
	_ =	strace s9  }
0x27: {  	s1 =	sld [smem:$0x3FB0]  }
0x28: {  	s2 =	sld [smem:$0x3FB1]  }
0x29: {  	s4 =	sld [smem:$0x3FB3]  }
0x2a: {  	p0 =	seq.s32 s5, $0x0;
	s5 =	sld [smem:$0x3FB4]  }
0x2b: {  	s6 =	sld [smem:$0x3FB5]  }
0x2c: {  	s7 =	sld [smem:$0x3FB6]  }
0x2d: {  	s3 =	simm.s32 $0x108;
	s8 =	sld [smem:$0x3FB7]  }
0x2e: {  	s3 =	simm.s32 @!p0 $0x1082;
	s9 =	sld [smem:$0x3FB8]  }
0x2f: {  	lr =	sadd.s32 s0, s3;
	s0 =	sld [smem:$0x3FAF]  }
0x30: {  	s3 =	sld [smem:$0x3FB2]  }
0x31: {  	[smem:$0x3FBB] =	sst s10  }
0x32: {  	s10 =	sld [smem:$0x3FB9];
	_ =	sdelay $0x3  }
0x33: {  	p0 =	seq.s32 s10, $0x1;
	s10 =	sld [smem:$0x3FBB];
	_ =	sdelay $0x3  }
0x34: {  	[smem:$0x3FBB] =	sst s10  }
0x35: {  	s10 =	sld [smem:$0x3FBA];
	_ =	sdelay $0x3  }
0x36: {  	p1 =	seq.s32 s10, $0x1;
	s10 =	sld [smem:$0x3FBB];
	_ =	sdelay $0x3  }
0x37: {  	[smem:$0x3FBB] =	sst s10  }
0x38: {  	s10 =	sld [smem:$0x3FBC]  }
0x39: {  	_ = 	snop;
	(pc) =	sbr.ind lr, $3  }
0x3a: {  	_ = 	snop  }
0x3b: {  	_ = 	snop  }
0x3c: {  	p2 =	seq.s32 s10, $0x1;
	s10 =	sld [smem:$0x3FBB]  }
0x3d: {  	_ =	shalt  }
0x3e: {  	_ =	shalt  }
0x3f: {  	_ =	shalt  }
0x40: {  	_ =	shalt  }
0x41: {  	_ =	shalt  }
0x42: {  	_ =	shalt  }
0x43: {  	_ =	shalt  }
0x44: {  	_ =	shalt  }
0x45: {  	_ =	shalt  }
0x46: {  	_ =	shalt  }
0x47: {  	_ =	shalt  }
0x48: {  	_ =	shalt  }
0x49: {  	_ =	shalt  }
0x4a: {  	_ =	shalt  }
0x4b: {  	_ =	shalt  }
0x4c: {  	_ =	shalt  }
0x4d: {  	_ =	shalt  }
0x4e: {  	_ =	shalt  }
0x4f: {  	_ =	shalt  }
0x50: {  	_ =	shalt  }
0x51: {  	_ =	shalt  }
0x52: {  	_ =	shalt  }
0x53: {  	_ =	shalt  }
0x54: {  	_ =	shalt  }
0x55: {  	_ =	shalt  }
0x56: {  	_ =	shalt  }
0x57: {  	_ =	shalt  }
0x58: {  	_ =	shalt  }
0x59: {  	_ =	shalt  }
0x5a: {  	_ =	shalt  }
0x5b: {  	_ =	shalt  }
0x5c: {  	_ =	shalt  }
0x5d: {  	_ =	shalt  }
0x5e: {  	_ =	shalt  }
0x5f: {  	_ =	shalt  }
0x60: {  	_ =	shalt  }
0x61: {  	_ =	shalt  }
0x62: {  	_ =	shalt  }
0x63: {  	_ =	shalt  }
0x64: {  	_ =	shalt  }
0x65: {  	_ =	shalt  }
0x66: {  	_ =	shalt  }
0x67: {  	_ =	shalt  }
0x68: {  	_ =	shalt  }
0x69: {  	_ =	shalt  }
0x6a: {  	_ =	shalt  }
0x6b: {  	_ =	shalt  }
0x6c: {  	_ =	shalt  }
0x6d: {  	_ =	shalt  }
0x6e: {  	_ =	shalt  }
0x6f: {  	_ =	shalt  }
0x70: {  	_ =	shalt  }
0x71: {  	_ =	shalt  }
0x72: {  	_ =	shalt  }
0x73: {  	_ =	shalt  }
0x74: {  	_ =	shalt  }
0x75: {  	_ =	shalt  }
0x76: {  	_ =	shalt  }
0x77: {  	_ =	shalt  }
0x78: {  	_ =	shalt  }
0x79: {  	_ =	shalt  }
0x7a: {  	_ =	shalt  }
0x7b: {  	_ =	shalt  }
0x7c: {  	_ =	shalt  }
0x7d: {  	_ =	shalt  }
0x7e: {  	_ =	shalt  }
0x7f: {  	_ =	shalt  }
0x80: {  	_ =	shalt  }
0x81: {  	_ =	shalt  }
0x82: {  	_ =	shalt  }
0x83: {  	_ =	shalt  }
0x84: {  	_ =	shalt  }
0x85: {  	_ =	shalt  }
0x86: {  	_ =	shalt  }
0x87: {  	_ =	shalt  }
.Lfunc_end0:
.L_simem_size_0:
called_computation_lowered:
.L_overlay_start_0:
0x88: {  	s2 =	sld [smem:$0x3FD9]  }
0x89: {  	s3 =	sld [smem:$0x3FFE];
	_ =	sdelay $0x1  }
0x8a: {  	s1 =	srdreg.scid  }
0x8b: {  	s0 =	sand.u32 $0x1, s1  }
0x8c: {  	s18 =	sshll.u32 s0, $0xA;
	s2 =	sadd.s32 s3, s2  }
0x8d: {  	s2 =	sadd.s32 s2, s18  }
0x8e: {  	[smem:$0x3FC7] =	sst s2  }
0x8f: {  	_ = 	snop  }
0x90: {  	s2 =	sld [smem:$0x3FC9]  }
0x91: {  	s19 =	sld [smem:$0x3FD0];
	(tm) =	ssettm $0x1  }
0x92: {  	s4 =	sld [smem:$0x3FFB];
	_ =	sdelay $0x3  }
0x93: {  	_ =	strace s4  }
0x94: {  	s4 =	sld [smem:$0x3FFC];
	_ =	sdelay $0x3  }
0x95: {  	_ =	strace s4  }
0x96: {  	s4 =	sld [smem:$0x3FFD];
	_ =	sdelay $0x3  }
0x97: {  	_ =	strace s4  }
0x98: {  	_ =	strace $0x8FFFFFFF  }
0x99: {  	s20 =	sld [smem:$0x3FDB];
	_ =	sdelay $0x1  }
0x9a: {  	s5 =	simm.s32 $_scs_section_size  }
0x9b: {  	s6 =	simm.s32 $_size__tile_overlayer_lowered;
	s7 =	simm.s32 $_tile_overlayer_lowered  }
0x9c: {  	s23 =	simm.s32 $0x1BFF;
	s22 =	sshll.u32 s7, $0x1;
	s4 =	sadd.s32 s5, s20  }
0x9d: {  	s8 =	simm.s32 $0x0;
	s21 =	sshll.u32 s6, $0x1;
	s6 =	sadd.s32 s22, s4  }
0x9e: {  	[timem:s8], [sflag:s23] =	dma.local [hbm:s6], s21  }
0x9f: {  	_ =	swait.ge [sflag:s23], s21  }
0xa0: {  	s5 =	ssub.s32 $0x0, s21;
	[sflag:s23] =	ssyncset.done $0x0  }
0xa1: {  	[sflag:s23] =	ssyncadd.s32 s5;
	_ =	sdelay $0x1  }
0xa2: {  	s24 =	simm.s32 $0x1B8B  }
0xa3: {  	_ =	swait.ge [sflag:s24], $0x1  }
0xa4: {  	[sflag:s24] =	ssyncset.done $0x0  }
0xa5: {  	s25 =	simm.s32 $0x1B8E;
	[sflag:s24] =	ssyncadd.s32 $0xFFFFFFFF  }
0xa6: {  	s26 =	simm.s32 $execute0_lowered;
	[smem:$0x3FD2] =	sst s25  }
0xa7: {  	s5 =	sshll.u32 s26, $0x1;
	_ =	strace $0x80000046;
	[dreg:$0x1] =	wrdreg $0xFFFFFFFF  }
0xa8: {  	s28 =	simm.s32 $_size_execute0_lowered;
	s4 =	sadd.s32 s4, s5;
	[dreg:$0x0] =	wrdreg $0x0  }
0xa9: {  	s5 =	sshll.u32 s28, $0x1;
	[dreg:$0x2] =	wrdreg s4  }
0xaa: {  	[dreg:$0x3] =	wrdreg s5  }
0xab: {  	[dreg:$0x4] =	wrdreg $0xC0  }
0xac: {  	_ =	task [dreg:s8], $0x5FFFF  }
0xad: {  	[dreg:$0x1] =	wrdreg $0xFFFFFFFF  }
0xae: {  	[dreg:$0x0] =	wrdreg $0x60  }
0xaf: {  	[dreg:$0x2] =	wrdreg s2  }
0xb0: {  	[dreg:$0x3] =	wrdreg s19  }
0xb1: {  	[dreg:$0x4] =	wrdreg $0x101000  }
0xb2: {  	[dreg:$0x5] =	wrdreg $0x9  }
0xb3: {  	_ =	task.clear_ibuf [dreg:s8], $0x6FFFF;
	_ =	strace $0x90000046  }
0xb4: {  	s29 =	simm.s32 $0x9;
	_ =	strace $0x80000048  }
0xb5: {  	_ =	swait.ge [sflag:s29], $0x1  }
0xb6: {  	[sflag:s29] =	ssyncadd.s32 $0xFFFFFFFF  }
0xb7: {  	_ =	strace $0x90000048  }
0xb8: {  	_ =	sfence  }
0xb9: {  	s30 =	sld [smem:$0x0];
	_ =	sdelay $0x2  }
0xba: {  	s31 =	sshll.u32 s1, $0xD;
	s1 =	sshrl.u32 s1, $0x2  }
0xbb: {  	s3 =	sand.u32 $0x4000, s31;
	s1 =	sadd.s32 s1, s30  }
0xbc: {  	s0 =	sor.u32 s3, s0;
	s1 =	sshll.u32 s1, $0x11  }
0xbd: {  	s0 =	sor.u32 s1, s0  }
0xbe: {  	s0 =	sadd.s32 $0x8F2B, s0  }
0xbf: {  	[sflag:s0] =	ssyncadd.remote.s32 $0x1  }
0xc0: {  	_ =	sfence.sel $0xFFFF  }
0xc1: {  	[dreg:$0x0] =	wrdreg $0xFFFFFFFF;
	(pc) =	sbr.abs _section_cstart, $3  }
0xc2: {  	[dreg:$0x1] =	wrdreg $0xFFFFFFFF  }
0xc3: {  	_ =	task.clear_ibuf [dreg:s8], $0x2FFFF;
	_ =	strace $0x9FFFFFFF  }
0xc4: {  	(tm) =	ssettm $0x7FFFFFFF  }
0xc5: {  	_ =	shalt  }
tec
execute0_lowered:
.L_overlay_start_1:
0x0: {  	(tag) =	ssettag $0x1  }
0x1: {  	s1 =	rddreg [dreg:$0x0]  }
0x2: {  	s2 =	rddreg [dreg:$0x1]  }
0x3: {  	s7 =	rddreg [dreg:$0x2]  }
0x4: {  	s0 =	rddreg [dreg:$0x3];
	s3 =	simm.s32 $0x0  }
0x5: {  	s4 =	srdreg.scid;
	s13 =	simm.s32 $0x10000;
	s14 =	simm.s32 $0x10080  }
0x6: {  	vm0 =	vcmask $0xB08;
	vm1 =	vcmask $0x300;
	s15 =	simm.s32 $0x0;
	[smem:$0x7FF] =	sst s3;
	s5 =	sand.u32 $0x1, s4  }
0x7: {  	s4 =	stileid.u32;
	vm0 =	vmor vm1, vm0;
	vm1 =	vcmask $0x1310;
	_ =	strace $0x80000047;
	s6 =	ssub.s32 $0x2, s5  }
0x8: {  	s9 =	sshll.u32 s4, $0x7;
	s10 =	sshll.u32 s4, $0x11;
	s5 =	sshll.u32 s5, $0xA;
	vm0 =	vmor vm0, vm1;
	vm1 =	vcmask $0x1B18  }
0x9: {  	s8 =	sshrl.u32 s6, $0x1;
	s11 =	sand.u32 $0x380, s9;
	s10 =	sand.u32 $0x100000, s10;
	vm0 =	vmor vm0, vm1;
	vm1 =	vcmask $0x2320  }
0xa: {  	s12 =	ssub.s32 s6, s8;
	s30 =	sor.u32 s5, s11;
	s31 =	sadd.s32 s1, s10;
	vm0 =	vmor vm0, vm1;
	vm1 =	vcmask $0x2B28  }
0xb: {  	s6 =	sadd.s32 s9, s7;
	s9 =	sxor.u32 $0x400, s9;
	s11 =	simm.s32 $0x4000;
	vm0 =	vmor vm0, vm1;
	vm1 =	vcmask $0x3330  }
0xc: {  	s5 =	sadd.s32 s30, s31;
	s7 =	sadd.s32 s9, s7;
	s8 =	sor.u32 s30, s10;
	vm0 =	vmor vm0, vm1;
	vm1 =	vcmask $0x3B38  }
0xd: {  	s9 =	smax.u32 s12, $0x1;
	s10 =	simm.s32 $0x400;
	s12 =	simm.s32 $0x1;
	vm0 =	vmor vm0, vm1  }
.LBB2_1:
0xe: {  	v5 =	vimm.f32 $0.0e+00;
	v0 =	vimm.f32 $0.0e+00  }
0xf: {  	v1 =	vimm.f32 $0.0e+00;
	v2 =	vimm.f32 $0.0e+00;
	v3 =	vimm.f32 $0.0e+00  }
0x10: {  	v4 =	vimm.f32 $0.0e+00;
	v6 =	vimm.f32 $0.0e+00;
	v7 =	vimm.f32 $0.0e+00;
	s16 =	simm.s32 $0x0  }
.LBB2_2:
0x11: {  	s17 =	sshll.u32 s16, $0x11  }
0x12: {  	s18 =	simm.s32 $0x0;
	s17 =	sadd.s32 s17, s5  }
0x13: {  	[tilespmem:s18], [sflag:$0x1] =	stream.strided.gather [hbm4b:s17+s10], $0x10000, s11, s10, $0x38;
	[tilespmem:$0x10180] =	vst v63  }
0x14: {  	_ =	swait.ge [sflag:s12], $0x10000  }
0x15: {  	[sflag:s12] =	ssyncset.done $0x0  }
0x16: {  	s19 =	simm.s32 $0x0;
	[sflag:s12] =	ssyncadd.s32 $0xFFFF0000  }
0x17: {  	v11 =	vld [tilespmem:s19+$0x70]  }
0x18: {  	v12 =	vld [tilespmem:s19+$0x0]  }
0x19: {  	v13 =	vld [tilespmem:s19+$0x10]  }
0x1a: {  	v10 =	vld [tilespmem:s19+$0x20]  }
0x1b: {  	v8 =	vld [tilespmem:s19+$0x30]  }
0x1c: {  	v9 =	vld [tilespmem:s19+$0x40]  }
0x1d: {  	v5 =	vadd.f32 v11, v5;
	v11 =	vld [tilespmem:s19+$0x50]  }
0x1e: {  	s17 =	simm.s32 $0x80;
	s18 =	simm.s32 $0x400;
	v7 =	vadd.f32 v12, v7;
	v6 =	vadd.f32 v13, v6;
	v12 =	vld [tilespmem:s19+$0x60]  }
.LBB2_3:
0x1f: {  	p0 =	sne.s32 s18, $0x3FE00;
	v13 =	vld [tilespmem:s17+$0x70];
	v4 =	vadd.f32 v10, v4  }
0x20: {  	v14 =	vld [tilespmem:s17+$0x0];
	v3 =	vadd.f32 v8, v3  }
0x21: {  	v15 =	vld [tilespmem:s17+$0x10];
	v2 =	vadd.f32 v9, v2  }
.Ltmp0:
0x22: {  	v10 =	vld [tilespmem:s17+$0x20];
	v1 =	vadd.f32 v11, v1;
	(pc) =	sbr.rel @p0 .LBB2_3-.Ltmp0, $4  }
0x23: {  	v8 =	vld [tilespmem:s17+$0x30];
	v0 =	vadd.f32 v12, v0  }
0x24: {  	v9 =	vld [tilespmem:s17+$0x40];
	v5 =	vadd.f32 v13, v5  }
0x25: {  	v7 =	vadd.f32 v14, v7;
	v11 =	vld [tilespmem:s17+$0x50]  }
0x26: {  	v6 =	vadd.f32 v15, v6;
	v12 =	vld [tilespmem:s17+$0x60];
	s17 =	sshra.s32 s18, $0x2;
	s18 =	sadd.s32 $0x200, s18  }
0x27: {  	v13 =	vld [tilespmem:s17+$0x70]  }
0x28: {  	v14 =	vld [tilespmem:s17+$0x0]  }
0x29: {  	v15 =	vld [tilespmem:s17+$0x10]  }
0x2a: {  	v16 =	vld [tilespmem:s17+$0x20]  }
0x2b: {  	v17 =	vld [tilespmem:s17+$0x30]  }
0x2c: {  	v18 =	vld [tilespmem:s17+$0x40]  }
0x2d: {  	v4 =	vadd.f32 v10, v4;
	v63 =	vld [tilespmem:s17+$0x50];
	s16 =	sadd.s32 $0x1, s16  }
0x2e: {  	v3 =	vadd.f32 v8, v3;
	v8 =	vld [tilespmem:s17+$0x60];
	p0 =	sne.s32 s16, $0x8;
	v2 =	vadd.f32 v9, v2  }
.Ltmp1:
0x2f: {  	v1 =	vadd.f32 v11, v1;
	v0 =	vadd.f32 v12, v0;
	(pc) =	sbr.rel @p0 .LBB2_2-.Ltmp1, $4  }
0x30: {  	v5 =	vadd.f32 v13, v5;
	v7 =	vadd.f32 v14, v7  }
0x31: {  	v6 =	vadd.f32 v15, v6;
	v4 =	vadd.f32 v16, v4  }
0x32: {  	v3 =	vadd.f32 v17, v3;
	v2 =	vadd.f32 v18, v2  }
0x33: {  	v1 =	vadd.f32 v63, v1;
	v0 =	vadd.f32 v8, v0  }
0x34: {  	[tilespmem:$0x10000] =	vst v7  }
0x35: {  	[tilespmem:$0x10010] =	vst v6  }
0x36: {  	[tilespmem:$0x10020] =	vst v4  }
0x37: {  	[tilespmem:$0x10030] =	vst v3  }
0x38: {  	[tilespmem:$0x10040] =	vst v2  }
0x39: {  	[tilespmem:$0x10070] =	vst v5  }
0x3a: {  	[tilespmem:$0x10050] =	vst v1  }
0x3b: {  	[tilespmem:$0x10060] =	vst v0  }
0x3c: {  	[spmem:s6] =	stream.linear.scatter [tilespmem:s13], [sflag:$0x1], $0x80, $0x38;
	[tilespmem:$0x10180] =	vst v63  }
0x3d: {  	_ =	swait.ge [sflag:s12], $0x80  }
0x3e: {  	[sflag:s12] =	ssyncset.done $0x0  }
0x3f: {  	[sflag:s12] =	ssyncadd.s32 $0xFFFFFF80  }
0x40: {  	[bflag:$0x0] =	sbarrier.arrive $0xFFFF  }
0x41: {  	[tilespmem:s14], [sflag:$0x1] =	stream.linear.gather [spmem:s7], $0x80, $0x38;
	[tilespmem:$0x10180] =	vst v63  }
0x42: {  	_ =	swait.ge [sflag:s12], $0x80  }
0x43: {  	[sflag:s12] =	ssyncset.done $0x0  }
0x44: {  	[sflag:s12] =	ssyncadd.s32 $0xFFFFFF80  }
0x45: {  	v8 =	vld [tilespmem:$0x10080]  }
0x46: {  	v9 =	vld [tilespmem:$0x10090]  }
0x47: {  	v10 =	vld [tilespmem:$0x100A0]  }
0x48: {  	v11 =	vld [tilespmem:$0x100B0]  }
0x49: {  	v12 =	vld [tilespmem:$0x100C0]  }
0x4a: {  	v13 =	vld [tilespmem:$0x100D0]  }
0x4b: {  	v14 =	vld [tilespmem:$0x100E0]  }
0x4c: {  	v15 =	vld [tilespmem:$0x100F0]  }
0x4d: {  	v7 =	vadd.f32 v8, v7;
	v6 =	vadd.f32 v9, v6  }
0x4e: {  	v4 =	vadd.f32 v10, v4;
	v3 =	vadd.f32 v11, v3  }
0x4f: {  	v8 =	vadd.f32 v12, v2;
	v62 =	vadd.f32 v13, v1  }
0x50: {  	v63 =	vadd.f32 v14, v0;
	v0 =	vmul.f32 $1.220703130e-04, v7;
	v1 =	vmul.f32 $1.220703130e-04, v6  }
0x51: {  	v2 =	vmul.f32 $1.220703130e-04, v4;
	v3 =	vmul.f32 $1.220703130e-04, v3;
	v7 =	vadd.f32 v15, v5  }
0x52: {  	v4 =	vmul.f32 $1.220703130e-04, v8;
	v5 =	vmul.f32 $1.220703130e-04, v62  }
0x53: {  	s16 =	simm.s32 $0x0;
	s17 =	simm.s32 $0x0;
	v6 =	vmul.f32 $1.220703130e-04, v63;
	v7 =	vmul.f32 $1.220703130e-04, v7  }
.LBB2_6:
0x54: {  	s18 =	sshll.u32 s17, $0x11  }
0x55: {  	s18 =	sadd.s32 s8, s18  }
0x56: {  	s19 =	sadd.s32 s1, s18  }
0x57: {  	[tilespmem:s16], [sflag:$0x1] =	stream.strided.gather [hbm4b:s19+s10], $0x10000, s11, s10, $0x38;
	[tilespmem:$0x10180] =	vst v63  }
0x58: {  	_ =	swait.ge [sflag:s12], $0x10000  }
0x59: {  	[sflag:s12] =	ssyncset.done $0x0  }
0x5a: {  	s19 =	simm.s32 $0x0;
	[sflag:s12] =	ssyncadd.s32 $0xFFFF0000  }
0x5b: {  	v10 =	vld [tilespmem:s19+$0x0]  }
0x5c: {  	v12 =	vld [tilespmem:s19+$0x10]  }
0x5d: {  	v11 =	vld [tilespmem:s19+$0x20]  }
0x5e: {  	v9 =	vld [tilespmem:s19+$0x30]  }
0x5f: {  	v8 =	vld [tilespmem:s19+$0x40]  }
0x60: {  	v13 =	vsel vm0, v0, v10;
	v10 =	vld [tilespmem:s19+$0x50]  }
0x61: {  	s20 =	simm.s32 $0x200;
	[tilespmem:s19+$0x0] =	vst v13;
	v13 =	vsel vm0, v1, v12;
	v12 =	vld [tilespmem:s19+$0x60]  }
.LBB2_7:
0x62: {  	s21 =	sshra.s32 s20, $0x2;
	p0 =	sne.s32 s20, $0x3FE00;
	[tilespmem:s19+$0x10] =	vst v13;
	v11 =	vsel vm0, v2, v11;
	v13 =	vld [tilespmem:s19+$0x70]  }
0x63: {  	v14 =	vld [tilespmem:s21+$0x0];
	[tilespmem:s19+$0x20] =	vst v11;
	v9 =	vsel vm0, v3, v9  }
0x64: {  	v15 =	vld [tilespmem:s21+$0x10];
	[tilespmem:s19+$0x30] =	vst v9;
	v8 =	vsel vm0, v4, v8  }
.Ltmp2:
0x65: {  	v11 =	vld [tilespmem:s21+$0x20];
	[tilespmem:s19+$0x40] =	vst v8;
	v8 =	vsel vm0, v5, v10;
	(pc) =	sbr.rel @p0 .LBB2_7-.Ltmp2, $4  }
0x66: {  	v9 =	vld [tilespmem:s21+$0x30];
	[tilespmem:s19+$0x50] =	vst v8;
	v10 =	vsel vm0, v6, v12  }
0x67: {  	v8 =	vld [tilespmem:s21+$0x40];
	[tilespmem:s19+$0x60] =	vst v10;
	v12 =	vsel vm0, v7, v13  }
0x68: {  	v13 =	vsel vm0, v0, v14;
	v10 =	vld [tilespmem:s21+$0x50];
	[tilespmem:s19+$0x70] =	vst v12;
	s19 =	smov.u32 s21  }
0x69: {  	s20 =	sadd.s32 $0x200, s20;
	[tilespmem:s19+$0x0] =	vst v13;
	v13 =	vsel vm0, v1, v15;
	v12 =	vld [tilespmem:s19+$0x60]  }
0x6a: {  	[tilespmem:s19+$0x10] =	vst v13;
	v11 =	vsel vm0, v2, v11;
	v63 =	vld [tilespmem:s19+$0x70]  }
0x6b: {  	[tilespmem:s19+$0x20] =	vst v11;
	v9 =	vsel vm0, v3, v9  }
0x6c: {  	[tilespmem:s19+$0x30] =	vst v9;
	v8 =	vsel vm0, v4, v8  }
0x6d: {  	[tilespmem:s19+$0x40] =	vst v8;
	v8 =	vsel vm0, v5, v10  }
0x6e: {  	s17 =	sadd.s32 $0x1, s17;
	[tilespmem:s19+$0x50] =	vst v8;
	v8 =	vsel vm0, v6, v12  }
0x6f: {  	p0 =	sne.s32 s17, $0x8;
	[tilespmem:s19+$0x60] =	vst v8;
	v8 =	vsel vm0, v7, v63  }
.Ltmp3:
0x70: {  	s18 =	sadd.s32 s2, s18;
	[tilespmem:s19+$0x70] =	vst v8;
	(pc) =	sbr.rel @p0 .LBB2_6-.Ltmp3, $4  }
0x71: {  	[hbm4b:s18+s10] =	stream.strided.scatter [tilespmem:s3], [sflag:$0x1], $0x10000, s11, s10, $0x38;
	[tilespmem:$0x10180] =	vst v63  }
0x72: {  	_ =	swait.ge [sflag:s12], $0x10000  }
0x73: {  	[sflag:s12] =	ssyncset.done $0x0  }
0x74: {  	[sflag:s12] =	ssyncadd.s32 $0xFFFF0000  }
0x75: {  	s15 =	sadd.s32 $0x1, s15  }
0x76: {  	p0 =	sne.s32 s15, s9  }
.Ltmp4:
0x77: {  	_ = 	snop;
	(pc) =	sbr.rel @p0 .LBB2_1-.Ltmp4, $1  }
0x78: {  	_ =	sdelay $0x3  }
0x79: {  	_ =	sfence.sel $0x180000  }
0x7a: {  	[bflag:$0x0] =	sbarrier.arrive $0xFFFF  }
0x7b: {  	p0 =	sne.s32 s4, $0x0;
	_ =	strace $0x90000047  }
0x7c: {  	s0 =	sadd.s32 @!p0 $0x100000, s0;
	[bflag:$0x2] =	sbarrier.arrive $0xFFFF  }
0x7d: {  	[sflag:s0] =	ssyncadd.tile.s32 @!p0 $0x1;
	_ =	shalt  }
.Lfunc_end2:
_tile_overlayer_lowered:
.L_overlay_start_2:
0x7e: {  	(tag) =	ssettag $0x2  }
0x7f: {  	s0 =	rddreg [dreg:$0x0];
	s2 =	stileid.u32  }
0x80: {  	s1 =	rddreg [dreg:$0x1];
	p0 =	sne.s32 s2, $0x0  }
0x81: {  	s3 =	rddreg [dreg:$0x2];
	[bflag:$0x3] =	sbarrier.arrive $0xFFFF;
	s2 =	simm.s32 @!p0 $0x1C01  }
0x82: {  	[timem:s3], [sflag:s2] =	dma.local @!p0 [hbm:s0], s1  }
0x83: {  	s0 =	simm.s32 @!p0 $0x1  }
0x84: {  	_ =	swait.ge @!p0 [sflag:s0], s1  }
0x85: {  	s1 =	ssub.s32 @!p0 $0x0, s1;
	[sflag:s0] =	ssyncset.done @!p0 $0x0  }
0x86: {  	[sflag:s0] =	ssyncadd.s32 @!p0 s1  }
0x87: {  	[bflag:$0x3] =	sbarrier.arrive $0xFFFF  }
0x88: {  	_ =	shalt  }

</sc_bundles>
